<compile_context>
chip_gen: v7x
topology: tpu7x:2x2x1
jax: 0.10.2.dev20260603
libtpu: 0.0.44.dev20260713+nightly
codegen_flags: <defaults>
</compile_context>

<pallas_src>
import jax
import jax.numpy as jnp
from jax import lax
from jax.experimental import pallas as pl
from jax.experimental.pallas import tpu as pltpu
from jax.experimental.pallas import tpu_sc as plsc

_B, _S = 1024, 20
_N = _B * _S
_D = 4096
_NC, _NS = 2, 16
_NW = _NC * _NS
_BPW = _N // _NW
_C = 8


def kernel(indices, weight):
    idx_smajor = indices.T.reshape(_N).astype(jnp.int32)

    mesh = plsc.VectorSubcoreMesh(
        core_axis_name="core", subcore_axis_name="subcore"
    )

    @pl.kernel(
        out_type=jax.ShapeDtypeStruct((_N, _D), jnp.float32),
        mesh=mesh,
        scratch_types=[
            pltpu.VMEM((_BPW,), jnp.int32),
            pltpu.VMEM((_C, _D), jnp.float32),
            pltpu.VMEM((_C, _D), jnp.float32),
            pltpu.VMEM((_C, _D), jnp.float32),
            pltpu.SemaphoreType.DMA,
            pltpu.SemaphoreType.DMA,
            pltpu.SemaphoreType.DMA,
        ],
    )
    def gather_kernel(w_hbm, i_hbm, o_hbm, idx_v, buf0, buf1, buf2,
                      sem0, sem1, sem2):
        wid = lax.axis_index("subcore") * _NC + lax.axis_index("core")
        base = wid * _BPW
        pltpu.sync_copy(i_hbm.at[pl.ds(base, _BPW)], idx_v)

        def start_gather(c, buf, sem):
            pltpu.make_async_copy(
                w_hbm.at[idx_v.at[pl.ds(c, _C)]], buf, sem
            ).start()

        def wait_gather(buf, sem):
            pltpu.make_async_copy(w_hbm.at[idx_v.at[pl.ds(0, _C)]], buf, sem).wait()

        bufs = (buf0, buf1, buf2)
        sems = (sem0, sem1, sem2)
        for k in range(3):
            start_gather(k * _C, bufs[k], sems[k])

        @pl.loop(0, _BPW - 2 * _C, step=3 * _C)
        def _(c):
            for k in range(3):
                wait_gather(bufs[k], sems[k])
                pltpu.sync_copy(
                    bufs[k], o_hbm.at[pl.ds(base + c + k * _C, _C)]
                )

                @pl.when(c + (k + 3) * _C + _C <= _BPW)
                def _():
                    start_gather(c + (k + 3) * _C, bufs[k], sems[k])

        for k in range(2):
            wait_gather(bufs[k], sems[k])
            pltpu.sync_copy(
                bufs[k], o_hbm.at[pl.ds(base + _BPW - (2 - k) * _C, _C)]
            )

    out_flat = gather_kernel(weight, idx_smajor)
    return jnp.transpose(out_flat.reshape(_S, _B, _D), (1, 0, 2))

# --- scband reference (transcript-rebuilt; emitter-appended) ---
"""Pipeline reference for scband-shakespeare-generator-78176994722569 (READ-ONLY COPY).

The authoritative reference and input builder live on the scoring server;
editing this copy changes nothing except your own understanding.
"""

import jax, jax.numpy as jnp
import numpy as np

INPUT_SIZE = 4096
PADDING_IDX = 0
B, S = 1024, 20


def setup_inputs(seed: int = 0) -> dict:
    key = jax.random.key(seed)
    k_idx, k_w = jax.random.split(key)
    indices = jax.random.randint(k_idx, (B, S), 0, INPUT_SIZE, dtype=jnp.int64 if jax.config.jax_enable_x64 else jnp.int32).astype(jnp.int32)
    # nn.Embedding weight: N(0,1) init, padding row zeroed
    weight = jax.random.normal(k_w, (INPUT_SIZE, INPUT_SIZE), dtype=jnp.float32)
    weight = weight.at[PADDING_IDX].set(0.0)
    return {"indices": indices, "weight": weight}


def reference(indices, weight):
    # embedding lookup: output[b, s, :] = weight[indices[b, s], :]
    return jnp.take(weight, indices, axis=0)

if __name__ == "__main__":
    import jax
    _d = setup_inputs()
    print(jax.jit(kernel)(*tuple(_d.values())))

</pallas_src>

<mosaic_0001>
#map = affine_map<(d0, d1) -> (0, 0)>
#map1 = affine_map<(d0, d1) -> (0)>
module attributes {stable_mosaic.version = 14 : i64} {
  func.func @gather_kernel(%arg0: i32, %arg1: i32, %arg2: memref<4096x4096xf32, #tpu.memory_space<hbm>>, %arg3: memref<20480xi32, #tpu.memory_space<hbm>>, %arg4: memref<20480x4096xf32, #tpu.memory_space<hbm>>, %arg5: memref<640xi32, #tpu.memory_space<vmem>>, %arg6: memref<8x4096xf32, #tpu.memory_space<vmem>>, %arg7: memref<8x4096xf32, #tpu.memory_space<vmem>>, %arg8: memref<8x4096xf32, #tpu.memory_space<vmem>>, %arg9: memref<!tpu.dma_semaphore, #tpu.memory_space<semaphore_mem>>, %arg10: memref<!tpu.dma_semaphore, #tpu.memory_space<semaphore_mem>>, %arg11: memref<!tpu.dma_semaphore, #tpu.memory_space<semaphore_mem>>) attributes {dimension_semantics = [#tpu.dimension_semantics<core_parallel>, #tpu.dimension_semantics<subcore_parallel>], iteration_bounds = array<i64: 2, 16>, scalar_prefetch = 0 : i64, scratch_operands = 7 : i64, tpu.core_type = #tpu.core_type<sc_vector_subcore>, window_params = [{transform_indices = #map}, {transform_indices = #map1}, {transform_indices = #map}]} {
    %mul3A = arith.constant 2 : i32
    %mul3A_0 = arith.muli %arg1, %mul3A : i32
    %add3A = arith.addi %mul3A_0, %arg0 : i32
    %mul3A_1 = arith.constant 640 : i32
    %mul3A_2 = arith.muli %add3A, %mul3A_1 : i32
    "tpu.region"() ({
      %run_scoped3A = tpu.sem_alloc : memref<!tpu.dma_semaphore, #tpu.memory_space<semaphore_mem>>
      %dma_start3A_37 = tpu.memref_slice %arg3[%mul3A_2] : memref<20480xi32, #tpu.memory_space<hbm>> -> memref<640xi32, #tpu.memory_space<hbm>>
      %dma_start3A_38 = tpu.memref_slice %arg3[%mul3A_2] : memref<20480xi32, #tpu.memory_space<hbm>> -> memref<640xi32, #tpu.memory_space<hbm>>
      tpu.enqueue_dma source(%dma_start3A_38 : memref<640xi32, #tpu.memory_space<hbm>>) target(%arg5 : memref<640xi32, #tpu.memory_space<vmem>>) target_semaphore(%run_scoped3A : memref<!tpu.dma_semaphore, #tpu.memory_space<semaphore_mem>>)
      %dma_wait3A_39 = tpu.memref_slice %arg3[%mul3A_2] : memref<20480xi32, #tpu.memory_space<hbm>> -> memref<640xi32, #tpu.memory_space<hbm>>
      %dma_wait3A_40 = tpu.memref_slice %arg3[%mul3A_2] : memref<20480xi32, #tpu.memory_space<hbm>> -> memref<640xi32, #tpu.memory_space<hbm>>
      tpu.wait_dma2 semaphore(%run_scoped3A : memref<!tpu.dma_semaphore, #tpu.memory_space<semaphore_mem>>) src(%dma_wait3A_40 : memref<640xi32, #tpu.memory_space<hbm>>) dst(%arg5 : memref<640xi32, #tpu.memory_space<vmem>>)
      tpu.yield
    }) : () -> ()
    %dma_start3A = arith.constant 0 : i32
    %dma_start3A_3 = tpu.memref_slice %arg5[%dma_start3A] : memref<640xi32, #tpu.memory_space<vmem>> -> memref<8xi32, #tpu.memory_space<vmem>>
    %dma_start3A_4 = arith.constant 0 : i32
    %dma_start3A_5 = arith.constant 0 : i32
    %dma_start3A_6 = tpu.memref_slice %arg2[%dma_start3A_4, %dma_start3A_5] : memref<4096x4096xf32, #tpu.memory_space<hbm>> -> memref<4096x4096xf32, #tpu.memory_space<hbm>>
    tpu.enqueue_indirect_dma source(%dma_start3A_6 : memref<4096x4096xf32, #tpu.memory_space<hbm>>) target(%arg6 : memref<8x4096xf32, #tpu.memory_space<vmem>>) offsets(%dma_start3A_3 : memref<8xi32, #tpu.memory_space<vmem>>) semaphore(%arg9 : memref<!tpu.dma_semaphore, #tpu.memory_space<semaphore_mem>>)
    %dma_start3A_7 = arith.constant 8 : i32
    %dma_start3A_8 = tpu.memref_slice %arg5[%dma_start3A_7] : memref<640xi32, #tpu.memory_space<vmem>> -> memref<8xi32, #tpu.memory_space<vmem>>
    %dma_start3A_9 = arith.constant 0 : i32
    %dma_start3A_10 = arith.constant 0 : i32
    %dma_start3A_11 = tpu.memref_slice %arg2[%dma_start3A_9, %dma_start3A_10] : memref<4096x4096xf32, #tpu.memory_space<hbm>> -> memref<4096x4096xf32, #tpu.memory_space<hbm>>
    tpu.enqueue_indirect_dma source(%dma_start3A_11 : memref<4096x4096xf32, #tpu.memory_space<hbm>>) target(%arg7 : memref<8x4096xf32, #tpu.memory_space<vmem>>) offsets(%dma_start3A_8 : memref<8xi32, #tpu.memory_space<vmem>>) semaphore(%arg10 : memref<!tpu.dma_semaphore, #tpu.memory_space<semaphore_mem>>)
    %dma_start3A_12 = arith.constant 16 : i32
    %dma_start3A_13 = tpu.memref_slice %arg5[%dma_start3A_12] : memref<640xi32, #tpu.memory_space<vmem>> -> memref<8xi32, #tpu.memory_space<vmem>>
    %dma_start3A_14 = arith.constant 0 : i32
    %dma_start3A_15 = arith.constant 0 : i32
    %dma_start3A_16 = tpu.memref_slice %arg2[%dma_start3A_14, %dma_start3A_15] : memref<4096x4096xf32, #tpu.memory_space<hbm>> -> memref<4096x4096xf32, #tpu.memory_space<hbm>>
    tpu.enqueue_indirect_dma source(%dma_start3A_16 : memref<4096x4096xf32, #tpu.memory_space<hbm>>) target(%arg8 : memref<8x4096xf32, #tpu.memory_space<vmem>>) offsets(%dma_start3A_13 : memref<8xi32, #tpu.memory_space<vmem>>) semaphore(%arg11 : memref<!tpu.dma_semaphore, #tpu.memory_space<semaphore_mem>>)
    %scan3A = arith.constant 0 : i32
    %scan3A_17 = arith.constant 26 : i32
    %scan3A_18 = arith.addi %scan3A, %scan3A_17 : i32
    %scan3A_19 = arith.constant 1 : i32
    scf.for %scan3A_37 = %scan3A to %scan3A_18 step %scan3A_19  : i32 {
      %mul3A_38 = arith.constant 24 : i32
      %mul3A_39 = arith.muli %scan3A_37, %mul3A_38 : i32
      %add3A_40 = arith.constant 0 : i32
      %add3A_41 = arith.addi %add3A_40, %mul3A_39 : i32
      %dma_wait3A_42 = arith.constant 0 : i32
      %dma_wait3A_43 = tpu.memref_slice %arg5[%dma_wait3A_42] : memref<640xi32, #tpu.memory_space<vmem>> -> memref<8xi32, #tpu.memory_space<vmem>>
      %dma_wait3A_44 = arith.constant 0 : i32
      %dma_wait3A_45 = arith.constant 0 : i32
      %dma_wait3A_46 = tpu.memref_slice %arg2[%dma_wait3A_44, %dma_wait3A_45] : memref<4096x4096xf32, #tpu.memory_space<hbm>> -> memref<4096x4096xf32, #tpu.memory_space<hbm>>
      tpu.wait_indirect_dma semaphore(%arg9 : memref<!tpu.dma_semaphore, #tpu.memory_space<semaphore_mem>>) src(%dma_wait3A_46 : memref<4096x4096xf32, #tpu.memory_space<hbm>>) dst(%arg6 : memref<8x4096xf32, #tpu.memory_space<vmem>>)
      %add3A_47 = arith.addi %mul3A_2, %add3A_41 : i32
      %add3A_48 = arith.constant 0 : i32
      %add3A_49 = arith.addi %add3A_47, %add3A_48 : i32
      "tpu.region"() ({
        %run_scoped3A = tpu.sem_alloc : memref<!tpu.dma_semaphore, #tpu.memory_space<semaphore_mem>>
        %dma_start3A_90 = arith.constant 0 : i32
        %dma_start3A_91 = tpu.memref_slice %arg4[%add3A_49, %dma_start3A_90] : memref<20480x4096xf32, #tpu.memory_space<hbm>> -> memref<8x4096xf32, #tpu.memory_space<hbm>>
        %dma_start3A_92 = arith.constant 0 : i32
        %dma_start3A_93 = tpu.memref_slice %arg4[%add3A_49, %dma_start3A_92] : memref<20480x4096xf32, #tpu.memory_space<hbm>> -> memref<8x4096xf32, #tpu.memory_space<hbm>>
        tpu.enqueue_dma source(%arg6 : memref<8x4096xf32, #tpu.memory_space<vmem>>) target(%dma_start3A_93 : memref<8x4096xf32, #tpu.memory_space<hbm>>) target_semaphore(%run_scoped3A : memref<!tpu.dma_semaphore, #tpu.memory_space<semaphore_mem>>)
        %dma_wait3A_94 = arith.constant 0 : i32
        %dma_wait3A_95 = tpu.memref_slice %arg4[%add3A_49, %dma_wait3A_94] : memref<20480x4096xf32, #tpu.memory_space<hbm>> -> memref<8x4096xf32, #tpu.memory_space<hbm>>
        %dma_wait3A_96 = arith.constant 0 : i32
        %dma_wait3A_97 = tpu.memref_slice %arg4[%add3A_49, %dma_wait3A_96] : memref<20480x4096xf32, #tpu.memory_space<hbm>> -> memref<8x4096xf32, #tpu.memory_space<hbm>>
        tpu.wait_dma2 semaphore(%run_scoped3A : memref<!tpu.dma_semaphore, #tpu.memory_space<semaphore_mem>>) src(%arg6 : memref<8x4096xf32, #tpu.memory_space<vmem>>) dst(%dma_wait3A_97 : memref<8x4096xf32, #tpu.memory_space<hbm>>)
        tpu.yield
      }) : () -> ()
      %add3A_50 = arith.constant 24 : i32
      %add3A_51 = arith.addi %add3A_41, %add3A_50 : i32
      %add3A_52 = arith.constant 8 : i32
      %add3A_53 = arith.addi %add3A_51, %add3A_52 : i32
      %le3A = arith.constant 640 : i32
      %le3A_54 = arith.cmpi sle, %add3A_53, %le3A : i32
      %convert_element_type3A = arith.extui %le3A_54 : i1 to i32
      %cond3A = arith.constant 0 : i32
      %cond3A_55 = arith.cmpi ne, %convert_element_type3A, %cond3A : i32
      scf.if %cond3A_55 {
        %add3A_90 = arith.constant 24 : i32
        %add3A_91 = arith.addi %add3A_41, %add3A_90 : i32
        %dma_start3A_92 = tpu.memref_slice %arg5[%add3A_91] : memref<640xi32, #tpu.memory_space<vmem>> -> memref<8xi32, #tpu.memory_space<vmem>>
        %dma_start3A_93 = arith.constant 0 : i32
        %dma_start3A_94 = arith.constant 0 : i32
        %dma_start3A_95 = tpu.memref_slice %arg2[%dma_start3A_93, %dma_start3A_94] : memref<4096x4096xf32, #tpu.memory_space<hbm>> -> memref<4096x4096xf32, #tpu.memory_space<hbm>>
        tpu.enqueue_indirect_dma source(%dma_start3A_95 : memref<4096x4096xf32, #tpu.memory_space<hbm>>) target(%arg6 : memref<8x4096xf32, #tpu.memory_space<vmem>>) offsets(%dma_start3A_92 : memref<8xi32, #tpu.memory_space<vmem>>) semaphore(%arg9 : memref<!tpu.dma_semaphore, #tpu.memory_space<semaphore_mem>>)
      } else {
      }
      %dma_wait3A_56 = arith.constant 0 : i32
      %dma_wait3A_57 = tpu.memref_slice %arg5[%dma_wait3A_56] : memref<640xi32, #tpu.memory_space<vmem>> -> memref<8xi32, #tpu.memory_space<vmem>>
      %dma_wait3A_58 = arith.constant 0 : i32
      %dma_wait3A_59 = arith.constant 0 : i32
      %dma_wait3A_60 = tpu.memref_slice %arg2[%dma_wait3A_58, %dma_wait3A_59] : memref<4096x4096xf32, #tpu.memory_space<hbm>> -> memref<4096x4096xf32, #tpu.memory_space<hbm>>
      tpu.wait_indirect_dma semaphore(%arg10 : memref<!tpu.dma_semaphore, #tpu.memory_space<semaphore_mem>>) src(%dma_wait3A_60 : memref<4096x4096xf32, #tpu.memory_space<hbm>>) dst(%arg7 : memref<8x4096xf32, #tpu.memory_space<vmem>>)
      %add3A_61 = arith.addi %mul3A_2, %add3A_41 : i32
      %add3A_62 = arith.constant 8 : i32
      %add3A_63 = arith.addi %add3A_61, %add3A_62 : i32
      "tpu.region"() ({
        %run_scoped3A = tpu.sem_alloc : memref<!tpu.dma_semaphore, #tpu.memory_space<semaphore_mem>>
        %dma_start3A_90 = arith.constant 0 : i32
        %dma_start3A_91 = tpu.memref_slice %arg4[%add3A_63, %dma_start3A_90] : memref<20480x4096xf32, #tpu.memory_space<hbm>> -> memref<8x4096xf32, #tpu.memory_space<hbm>>
        %dma_start3A_92 = arith.constant 0 : i32
        %dma_start3A_93 = tpu.memref_slice %arg4[%add3A_63, %dma_start3A_92] : memref<20480x4096xf32, #tpu.memory_space<hbm>> -> memref<8x4096xf32, #tpu.memory_space<hbm>>
        tpu.enqueue_dma source(%arg7 : memref<8x4096xf32, #tpu.memory_space<vmem>>) target(%dma_start3A_93 : memref<8x4096xf32, #tpu.memory_space<hbm>>) target_semaphore(%run_scoped3A : memref<!tpu.dma_semaphore, #tpu.memory_space<semaphore_mem>>)
        %dma_wait3A_94 = arith.constant 0 : i32
        %dma_wait3A_95 = tpu.memref_slice %arg4[%add3A_63, %dma_wait3A_94] : memref<20480x4096xf32, #tpu.memory_space<hbm>> -> memref<8x4096xf32, #tpu.memory_space<hbm>>
        %dma_wait3A_96 = arith.constant 0 : i32
        %dma_wait3A_97 = tpu.memref_slice %arg4[%add3A_63, %dma_wait3A_96] : memref<20480x4096xf32, #tpu.memory_space<hbm>> -> memref<8x4096xf32, #tpu.memory_space<hbm>>
        tpu.wait_dma2 semaphore(%run_scoped3A : memref<!tpu.dma_semaphore, #tpu.memory_space<semaphore_mem>>) src(%arg7 : memref<8x4096xf32, #tpu.memory_space<vmem>>) dst(%dma_wait3A_97 : memref<8x4096xf32, #tpu.memory_space<hbm>>)
        tpu.yield
      }) : () -> ()
      %add3A_64 = arith.constant 32 : i32
      %add3A_65 = arith.addi %add3A_41, %add3A_64 : i32
      %add3A_66 = arith.constant 8 : i32
      %add3A_67 = arith.addi %add3A_65, %add3A_66 : i32
      %le3A_68 = arith.constant 640 : i32
      %le3A_69 = arith.cmpi sle, %add3A_67, %le3A_68 : i32
      %convert_element_type3A_70 = arith.extui %le3A_69 : i1 to i32
      %cond3A_71 = arith.constant 0 : i32
      %cond3A_72 = arith.cmpi ne, %convert_element_type3A_70, %cond3A_71 : i32
      scf.if %cond3A_72 {
        %add3A_90 = arith.constant 32 : i32
        %add3A_91 = arith.addi %add3A_41, %add3A_90 : i32
        %dma_start3A_92 = tpu.memref_slice %arg5[%add3A_91] : memref<640xi32, #tpu.memory_space<vmem>> -> memref<8xi32, #tpu.memory_space<vmem>>
        %dma_start3A_93 = arith.constant 0 : i32
        %dma_start3A_94 = arith.constant 0 : i32
        %dma_start3A_95 = tpu.memref_slice %arg2[%dma_start3A_93, %dma_start3A_94] : memref<4096x4096xf32, #tpu.memory_space<hbm>> -> memref<4096x4096xf32, #tpu.memory_space<hbm>>
        tpu.enqueue_indirect_dma source(%dma_start3A_95 : memref<4096x4096xf32, #tpu.memory_space<hbm>>) target(%arg7 : memref<8x4096xf32, #tpu.memory_space<vmem>>) offsets(%dma_start3A_92 : memref<8xi32, #tpu.memory_space<vmem>>) semaphore(%arg10 : memref<!tpu.dma_semaphore, #tpu.memory_space<semaphore_mem>>)
      } else {
      }
      %dma_wait3A_73 = arith.constant 0 : i32
      %dma_wait3A_74 = tpu.memref_slice %arg5[%dma_wait3A_73] : memref<640xi32, #tpu.memory_space<vmem>> -> memref<8xi32, #tpu.memory_space<vmem>>
      %dma_wait3A_75 = arith.constant 0 : i32
      %dma_wait3A_76 = arith.constant 0 : i32
      %dma_wait3A_77 = tpu.memref_slice %arg2[%dma_wait3A_75, %dma_wait3A_76] : memref<4096x4096xf32, #tpu.memory_space<hbm>> -> memref<4096x4096xf32, #tpu.memory_space<hbm>>
      tpu.wait_indirect_dma semaphore(%arg11 : memref<!tpu.dma_semaphore, #tpu.memory_space<semaphore_mem>>) src(%dma_wait3A_77 : memref<4096x4096xf32, #tpu.memory_space<hbm>>) dst(%arg8 : memref<8x4096xf32, #tpu.memory_space<vmem>>)
      %add3A_78 = arith.addi %mul3A_2, %add3A_41 : i32
      %add3A_79 = arith.constant 16 : i32
      %add3A_80 = arith.addi %add3A_78, %add3A_79 : i32
      "tpu.region"() ({
        %run_scoped3A = tpu.sem_alloc : memref<!tpu.dma_semaphore, #tpu.memory_space<semaphore_mem>>
        %dma_start3A_90 = arith.constant 0 : i32
        %dma_start3A_91 = tpu.memref_slice %arg4[%add3A_80, %dma_start3A_90] : memref<20480x4096xf32, #tpu.memory_space<hbm>> -> memref<8x4096xf32, #tpu.memory_space<hbm>>
        %dma_start3A_92 = arith.constant 0 : i32
        %dma_start3A_93 = tpu.memref_slice %arg4[%add3A_80, %dma_start3A_92] : memref<20480x4096xf32, #tpu.memory_space<hbm>> -> memref<8x4096xf32, #tpu.memory_space<hbm>>
        tpu.enqueue_dma source(%arg8 : memref<8x4096xf32, #tpu.memory_space<vmem>>) target(%dma_start3A_93 : memref<8x4096xf32, #tpu.memory_space<hbm>>) target_semaphore(%run_scoped3A : memref<!tpu.dma_semaphore, #tpu.memory_space<semaphore_mem>>)
        %dma_wait3A_94 = arith.constant 0 : i32
        %dma_wait3A_95 = tpu.memref_slice %arg4[%add3A_80, %dma_wait3A_94] : memref<20480x4096xf32, #tpu.memory_space<hbm>> -> memref<8x4096xf32, #tpu.memory_space<hbm>>
        %dma_wait3A_96 = arith.constant 0 : i32
        %dma_wait3A_97 = tpu.memref_slice %arg4[%add3A_80, %dma_wait3A_96] : memref<20480x4096xf32, #tpu.memory_space<hbm>> -> memref<8x4096xf32, #tpu.memory_space<hbm>>
        tpu.wait_dma2 semaphore(%run_scoped3A : memref<!tpu.dma_semaphore, #tpu.memory_space<semaphore_mem>>) src(%arg8 : memref<8x4096xf32, #tpu.memory_space<vmem>>) dst(%dma_wait3A_97 : memref<8x4096xf32, #tpu.memory_space<hbm>>)
        tpu.yield
      }) : () -> ()
      %add3A_81 = arith.constant 40 : i32
      %add3A_82 = arith.addi %add3A_41, %add3A_81 : i32
      %add3A_83 = arith.constant 8 : i32
      %add3A_84 = arith.addi %add3A_82, %add3A_83 : i32
      %le3A_85 = arith.constant 640 : i32
      %le3A_86 = arith.cmpi sle, %add3A_84, %le3A_85 : i32
      %convert_element_type3A_87 = arith.extui %le3A_86 : i1 to i32
      %cond3A_88 = arith.constant 0 : i32
      %cond3A_89 = arith.cmpi ne, %convert_element_type3A_87, %cond3A_88 : i32
      scf.if %cond3A_89 {
        %add3A_90 = arith.constant 40 : i32
        %add3A_91 = arith.addi %add3A_41, %add3A_90 : i32
        %dma_start3A_92 = tpu.memref_slice %arg5[%add3A_91] : memref<640xi32, #tpu.memory_space<vmem>> -> memref<8xi32, #tpu.memory_space<vmem>>
        %dma_start3A_93 = arith.constant 0 : i32
        %dma_start3A_94 = arith.constant 0 : i32
        %dma_start3A_95 = tpu.memref_slice %arg2[%dma_start3A_93, %dma_start3A_94] : memref<4096x4096xf32, #tpu.memory_space<hbm>> -> memref<4096x4096xf32, #tpu.memory_space<hbm>>
        tpu.enqueue_indirect_dma source(%dma_start3A_95 : memref<4096x4096xf32, #tpu.memory_space<hbm>>) target(%arg8 : memref<8x4096xf32, #tpu.memory_space<vmem>>) offsets(%dma_start3A_92 : memref<8xi32, #tpu.memory_space<vmem>>) semaphore(%arg11 : memref<!tpu.dma_semaphore, #tpu.memory_space<semaphore_mem>>)
      } else {
      }
    }
    %scan3A_20 = arith.constant 26 : i32
    %dma_wait3A = arith.constant 0 : i32
    %dma_wait3A_21 = tpu.memref_slice %arg5[%dma_wait3A] : memref<640xi32, #tpu.memory_space<vmem>> -> memref<8xi32, #tpu.memory_space<vmem>>
    %dma_wait3A_22 = arith.constant 0 : i32
    %dma_wait3A_23 = arith.constant 0 : i32
    %dma_wait3A_24 = tpu.memref_slice %arg2[%dma_wait3A_22, %dma_wait3A_23] : memref<4096x4096xf32, #tpu.memory_space<hbm>> -> memref<4096x4096xf32, #tpu.memory_space<hbm>>
    tpu.wait_indirect_dma semaphore(%arg9 : memref<!tpu.dma_semaphore, #tpu.memory_space<semaphore_mem>>) src(%dma_wait3A_24 : memref<4096x4096xf32, #tpu.memory_space<hbm>>) dst(%arg6 : memref<8x4096xf32, #tpu.memory_space<vmem>>)
    %add3A_25 = arith.constant 640 : i32
    %add3A_26 = arith.addi %mul3A_2, %add3A_25 : i32
    %sub3A = arith.constant 16 : i32
    %sub3A_27 = arith.subi %add3A_26, %sub3A : i32
    "tpu.region"() ({
      %run_scoped3A = tpu.sem_alloc : memref<!tpu.dma_semaphore, #tpu.memory_space<semaphore_mem>>
      %dma_start3A_37 = arith.constant 0 : i32
      %dma_start3A_38 = tpu.memref_slice %arg4[%sub3A_27, %dma_start3A_37] : memref<20480x4096xf32, #tpu.memory_space<hbm>> -> memref<8x4096xf32, #tpu.memory_space<hbm>>
      %dma_start3A_39 = arith.constant 0 : i32
      %dma_start3A_40 = tpu.memref_slice %arg4[%sub3A_27, %dma_start3A_39] : memref<20480x4096xf32, #tpu.memory_space<hbm>> -> memref<8x4096xf32, #tpu.memory_space<hbm>>
      tpu.enqueue_dma source(%arg6 : memref<8x4096xf32, #tpu.memory_space<vmem>>) target(%dma_start3A_40 : memref<8x4096xf32, #tpu.memory_space<hbm>>) target_semaphore(%run_scoped3A : memref<!tpu.dma_semaphore, #tpu.memory_space<semaphore_mem>>)
      %dma_wait3A_41 = arith.constant 0 : i32
      %dma_wait3A_42 = tpu.memref_slice %arg4[%sub3A_27, %dma_wait3A_41] : memref<20480x4096xf32, #tpu.memory_space<hbm>> -> memref<8x4096xf32, #tpu.memory_space<hbm>>
      %dma_wait3A_43 = arith.constant 0 : i32
      %dma_wait3A_44 = tpu.memref_slice %arg4[%sub3A_27, %dma_wait3A_43] : memref<20480x4096xf32, #tpu.memory_space<hbm>> -> memref<8x4096xf32, #tpu.memory_space<hbm>>
      tpu.wait_dma2 semaphore(%run_scoped3A : memref<!tpu.dma_semaphore, #tpu.memory_space<semaphore_mem>>) src(%arg6 : memref<8x4096xf32, #tpu.memory_space<vmem>>) dst(%dma_wait3A_44 : memref<8x4096xf32, #tpu.memory_space<hbm>>)
      tpu.yield
    }) : () -> ()
    %dma_wait3A_28 = arith.constant 0 : i32
    %dma_wait3A_29 = tpu.memref_slice %arg5[%dma_wait3A_28] : memref<640xi32, #tpu.memory_space<vmem>> -> memref<8xi32, #tpu.memory_space<vmem>>
    %dma_wait3A_30 = arith.constant 0 : i32
    %dma_wait3A_31 = arith.constant 0 : i32
    %dma_wait3A_32 = tpu.memref_slice %arg2[%dma_wait3A_30, %dma_wait3A_31] : memref<4096x4096xf32, #tpu.memory_space<hbm>> -> memref<4096x4096xf32, #tpu.memory_space<hbm>>
    tpu.wait_indirect_dma semaphore(%arg10 : memref<!tpu.dma_semaphore, #tpu.memory_space<semaphore_mem>>) src(%dma_wait3A_32 : memref<4096x4096xf32, #tpu.memory_space<hbm>>) dst(%arg7 : memref<8x4096xf32, #tpu.memory_space<vmem>>)
    %add3A_33 = arith.constant 640 : i32
    %add3A_34 = arith.addi %mul3A_2, %add3A_33 : i32
    %sub3A_35 = arith.constant 8 : i32
    %sub3A_36 = arith.subi %add3A_34, %sub3A_35 : i32
    "tpu.region"() ({
      %run_scoped3A = tpu.sem_alloc : memref<!tpu.dma_semaphore, #tpu.memory_space<semaphore_mem>>
      %dma_start3A_37 = arith.constant 0 : i32
      %dma_start3A_38 = tpu.memref_slice %arg4[%sub3A_36, %dma_start3A_37] : memref<20480x4096xf32, #tpu.memory_space<hbm>> -> memref<8x4096xf32, #tpu.memory_space<hbm>>
      %dma_start3A_39 = arith.constant 0 : i32
      %dma_start3A_40 = tpu.memref_slice %arg4[%sub3A_36, %dma_start3A_39] : memref<20480x4096xf32, #tpu.memory_space<hbm>> -> memref<8x4096xf32, #tpu.memory_space<hbm>>
      tpu.enqueue_dma source(%arg7 : memref<8x4096xf32, #tpu.memory_space<vmem>>) target(%dma_start3A_40 : memref<8x4096xf32, #tpu.memory_space<hbm>>) target_semaphore(%run_scoped3A : memref<!tpu.dma_semaphore, #tpu.memory_space<semaphore_mem>>)
      %dma_wait3A_41 = arith.constant 0 : i32
      %dma_wait3A_42 = tpu.memref_slice %arg4[%sub3A_36, %dma_wait3A_41] : memref<20480x4096xf32, #tpu.memory_space<hbm>> -> memref<8x4096xf32, #tpu.memory_space<hbm>>
      %dma_wait3A_43 = arith.constant 0 : i32
      %dma_wait3A_44 = tpu.memref_slice %arg4[%sub3A_36, %dma_wait3A_43] : memref<20480x4096xf32, #tpu.memory_space<hbm>> -> memref<8x4096xf32, #tpu.memory_space<hbm>>
      tpu.wait_dma2 semaphore(%run_scoped3A : memref<!tpu.dma_semaphore, #tpu.memory_space<semaphore_mem>>) src(%arg7 : memref<8x4096xf32, #tpu.memory_space<vmem>>) dst(%dma_wait3A_44 : memref<8x4096xf32, #tpu.memory_space<hbm>>)
      tpu.yield
    }) : () -> ()
    return
  }
}

</mosaic_0001>

<sc_bundles>
// kernel: kernel.3.cloned.1.call-start
scs
__scs_entry_jumppad:
0x0: {  	(pc) =	sbr.rel $0x88, $3  }
0x1: {  	(tag) =	ssettag $0x0;
	lr =	simm.s32 $0x1  }
0x2: {  	[smem:$0x3F9F] =	sst lr;
	_ =	strace $0xD0000000  }
0x3: {  	_ = 	snop  }
0x4: {  	_ = 	snop  }
0x5: {  	_ = 	snop  }
0x6: {  	_ = 	snop  }
0x7: {  	_ = 	snop  }
__scs_overlays_trampoline_lowered:
0x8: {  	[smem:$0x3FAE] =	sst s0  }
0x9: {  	[smem:$0x3FAF] =	sst s1  }
0xa: {  	[smem:$0x3FB0] =	sst s2  }
0xb: {  	[smem:$0x3FB1] =	sst s3  }
0xc: {  	[smem:$0x3FB2] =	sst s4  }
0xd: {  	[smem:$0x3FB3] =	sst s5  }
0xe: {  	[smem:$0x3FB4] =	sst s6  }
0xf: {  	[smem:$0x3FB5] =	sst s7  }
0x10: {  	[smem:$0x3FB6] =	sst s8  }
0x11: {  	[smem:$0x3FB7] =	sst s9;
	s0 =	simm.s32 @!p0 $0x0  }
0x12: {  	s1 =	sld [smem:$0x3F9D];
	s0 =	simm.s32 @p0 $0x1  }
0x13: {  	[smem:$0x3FB8] =	sst s0;
	s0 =	simm.s32 @!p1 $0x0  }
0x14: {  	s2 =	sld [smem:$0x3F9C];
	s0 =	simm.s32 @p1 $0x1  }
0x15: {  	[smem:$0x3FB9] =	sst s0;
	s0 =	simm.s32 @!p2 $0x0  }
0x16: {  	s3 =	sld [smem:$0x3FDB];
	s0 =	simm.s32 @p2 $0x1  }
0x17: {  	s4 =	simm.s32 $0x1BF5;
	[smem:$0x3FBB] =	sst s0  }
0x18: {  	s0 =	sld [smem:$0x3F9E];
	_ =	swait.ge [sflag:s4], $0x0  }
0x19: {  	s7 =	sld [smem:$0x3F9F]  }
0x1a: {  	s8 =	sadd.s32 $0xFFFFE003, lr  }
0x1b: {  	s9 =	sadd.s32 $0xFFFFFEF7, lr;
	s5 =	simm.s32 $0xFFFFFFFF;
	p2 =	slt.u32 s8, $0xFFFFF086  }
0x1c: {  	p1 =	slt.u32 s9, $0xF7A;
	s5 =	simm.s32 @!p2 $0x0  }
0x1d: {  	s5 =	simm.s32 @p1 $0x1;
	p0 =	seq.s32 s7, s2  }
0x1e: {  	s7 =	smul.u32 @!p0 $0xF7A, s2;
	p2 =	seq.s32 @!p0 s5, $0x0  }
0x1f: {  	s9 =	smul.u32 $0xF7A, s1;
	s8 =	simm.s32 @!p0 $0x1BF5;
	p2 =	por !p2, p0  }
0x20: {  	[sflag:s8] =	ssyncset.s32 @!p0 $0xFFFFF086;
	s6 =	sadd.s32 @!p0 s3, s7;
	s7 =	simm.s32 @!p0 $0x108  }
0x21: {  	s3 =	sadd.s32 s3, s9;
	s6 =	sadd.s32 @!p0 $0x88, s6;
	s7 =	simm.s32 @p2 $0x1082  }
0x22: {  	[simem:s7], [sflag:s8] =	dma.local @!p0 [hbm:s6], $0xF7A  }
0x23: {  	s9 =	sor.u32 $0xD0000000, s2;
	s6 =	simm.s32 $0x108;
	_ =	swait.ge @!p0 [sflag:s8], $0x0  }
0x24: {  	s3 =	sadd.s32 $0x88, s3;
	s6 =	simm.s32 @!p1 $0x1082;
	[sflag:s4] =	ssyncset.s32 $0xFFFFF086  }
0x25: {  	[simem:s6], [sflag:s4] =	dma.local [hbm:s3], $0xF7A  }
0x26: {  	[smem:$0x3F9F] =	sst s1;
	(tag) =	ssettag s2;
	_ =	strace s9  }
0x27: {  	s1 =	sld [smem:$0x3FAF]  }
0x28: {  	s2 =	sld [smem:$0x3FB0]  }
0x29: {  	s4 =	sld [smem:$0x3FB2]  }
0x2a: {  	p0 =	seq.s32 s5, $0x0;
	s5 =	sld [smem:$0x3FB3]  }
0x2b: {  	s6 =	sld [smem:$0x3FB4]  }
0x2c: {  	s7 =	sld [smem:$0x3FB5]  }
0x2d: {  	s3 =	simm.s32 $0x108;
	s8 =	sld [smem:$0x3FB6]  }
0x2e: {  	s3 =	simm.s32 @!p0 $0x1082;
	s9 =	sld [smem:$0x3FB7]  }
0x2f: {  	lr =	sadd.s32 s0, s3;
	s0 =	sld [smem:$0x3FAE]  }
0x30: {  	s3 =	sld [smem:$0x3FB1]  }
0x31: {  	[smem:$0x3FBA] =	sst s10  }
0x32: {  	s10 =	sld [smem:$0x3FB8];
	_ =	sdelay $0x3  }
0x33: {  	p0 =	seq.s32 s10, $0x1;
	s10 =	sld [smem:$0x3FBA];
	_ =	sdelay $0x3  }
0x34: {  	[smem:$0x3FBA] =	sst s10  }
0x35: {  	s10 =	sld [smem:$0x3FB9];
	_ =	sdelay $0x3  }
0x36: {  	p1 =	seq.s32 s10, $0x1;
	s10 =	sld [smem:$0x3FBA];
	_ =	sdelay $0x3  }
0x37: {  	[smem:$0x3FBA] =	sst s10  }
0x38: {  	s10 =	sld [smem:$0x3FBB]  }
0x39: {  	_ = 	snop;
	(pc) =	sbr.ind lr, $3  }
0x3a: {  	_ = 	snop  }
0x3b: {  	_ = 	snop  }
0x3c: {  	p2 =	seq.s32 s10, $0x1;
	s10 =	sld [smem:$0x3FBA]  }
0x3d: {  	_ =	shalt  }
0x3e: {  	_ =	shalt  }
0x3f: {  	_ =	shalt  }
0x40: {  	_ =	shalt  }
0x41: {  	_ =	shalt  }
0x42: {  	_ =	shalt  }
0x43: {  	_ =	shalt  }
0x44: {  	_ =	shalt  }
0x45: {  	_ =	shalt  }
0x46: {  	_ =	shalt  }
0x47: {  	_ =	shalt  }
0x48: {  	_ =	shalt  }
0x49: {  	_ =	shalt  }
0x4a: {  	_ =	shalt  }
0x4b: {  	_ =	shalt  }
0x4c: {  	_ =	shalt  }
0x4d: {  	_ =	shalt  }
0x4e: {  	_ =	shalt  }
0x4f: {  	_ =	shalt  }
0x50: {  	_ =	shalt  }
0x51: {  	_ =	shalt  }
0x52: {  	_ =	shalt  }
0x53: {  	_ =	shalt  }
0x54: {  	_ =	shalt  }
0x55: {  	_ =	shalt  }
0x56: {  	_ =	shalt  }
0x57: {  	_ =	shalt  }
0x58: {  	_ =	shalt  }
0x59: {  	_ =	shalt  }
0x5a: {  	_ =	shalt  }
0x5b: {  	_ =	shalt  }
0x5c: {  	_ =	shalt  }
0x5d: {  	_ =	shalt  }
0x5e: {  	_ =	shalt  }
0x5f: {  	_ =	shalt  }
0x60: {  	_ =	shalt  }
0x61: {  	_ =	shalt  }
0x62: {  	_ =	shalt  }
0x63: {  	_ =	shalt  }
0x64: {  	_ =	shalt  }
0x65: {  	_ =	shalt  }
0x66: {  	_ =	shalt  }
0x67: {  	_ =	shalt  }
0x68: {  	_ =	shalt  }
0x69: {  	_ =	shalt  }
0x6a: {  	_ =	shalt  }
0x6b: {  	_ =	shalt  }
0x6c: {  	_ =	shalt  }
0x6d: {  	_ =	shalt  }
0x6e: {  	_ =	shalt  }
0x6f: {  	_ =	shalt  }
0x70: {  	_ =	shalt  }
0x71: {  	_ =	shalt  }
0x72: {  	_ =	shalt  }
0x73: {  	_ =	shalt  }
0x74: {  	_ =	shalt  }
0x75: {  	_ =	shalt  }
0x76: {  	_ =	shalt  }
0x77: {  	_ =	shalt  }
0x78: {  	_ =	shalt  }
0x79: {  	_ =	shalt  }
0x7a: {  	_ =	shalt  }
0x7b: {  	_ =	shalt  }
0x7c: {  	_ =	shalt  }
0x7d: {  	_ =	shalt  }
0x7e: {  	_ =	shalt  }
0x7f: {  	_ =	shalt  }
0x80: {  	_ =	shalt  }
0x81: {  	_ =	shalt  }
0x82: {  	_ =	shalt  }
0x83: {  	_ =	shalt  }
0x84: {  	_ =	shalt  }
0x85: {  	_ =	shalt  }
0x86: {  	_ =	shalt  }
0x87: {  	_ =	shalt  }
.Lfunc_end0:
.L_simem_size_0:
called_computation_lowered:
.L_overlay_start_0:
0x88: {  	s2 =	sld [smem:$0x3FD9]  }
0x89: {  	s3 =	sld [smem:$0x3FFE];
	_ =	sdelay $0x1  }
0x8a: {  	s1 =	srdreg.scid  }
0x8b: {  	s0 =	sand.u32 $0x1, s1  }
0x8c: {  	s17 =	sshll.u32 s0, $0xA;
	s2 =	sadd.s32 s3, s2  }
0x8d: {  	s2 =	sadd.s32 s2, s17  }
0x8e: {  	[smem:$0x3FC6] =	sst s2  }
0x8f: {  	_ = 	snop  }
0x90: {  	s2 =	sld [smem:$0x3FC8]  }
0x91: {  	s18 =	sld [smem:$0x3FD0];
	(tm) =	ssettm $0x1  }
0x92: {  	s4 =	sld [smem:$0x3FFB];
	_ =	sdelay $0x3  }
0x93: {  	_ =	strace s4  }
0x94: {  	s4 =	sld [smem:$0x3FFC];
	_ =	sdelay $0x3  }
0x95: {  	_ =	strace s4  }
0x96: {  	s4 =	sld [smem:$0x3FFD];
	_ =	sdelay $0x3  }
0x97: {  	_ =	strace s4  }
0x98: {  	_ =	strace $0x8FFFFFFF  }
0x99: {  	s19 =	sld [smem:$0x3FDB];
	_ =	sdelay $0x1  }
0x9a: {  	s5 =	simm.s32 $_scs_section_size  }
0x9b: {  	s6 =	simm.s32 $_size__tile_overlayer_lowered;
	s7 =	simm.s32 $_tile_overlayer_lowered  }
0x9c: {  	s22 =	simm.s32 $0x1BFF;
	s21 =	sshll.u32 s7, $0x1;
	s4 =	sadd.s32 s5, s19  }
0x9d: {  	s8 =	simm.s32 $0x0;
	s20 =	sshll.u32 s6, $0x1;
	s6 =	sadd.s32 s21, s4  }
0x9e: {  	[timem:s8], [sflag:s22] =	dma.local [hbm:s6], s20  }
0x9f: {  	_ =	swait.ge [sflag:s22], s20  }
0xa0: {  	s5 =	ssub.s32 $0x0, s20;
	[sflag:s22] =	ssyncset.done $0x0  }
0xa1: {  	[sflag:s22] =	ssyncadd.s32 s5;
	_ =	sdelay $0x1  }
0xa2: {  	s23 =	simm.s32 $0x1B8B  }
0xa3: {  	_ =	swait.ge [sflag:s23], $0x1  }
0xa4: {  	[sflag:s23] =	ssyncset.done $0x0  }
0xa5: {  	s25 =	simm.s32 $0x1B8E;
	s24 =	sld [smem:$0x3FFE];
	[sflag:s23] =	ssyncadd.s32 $0xFFFFFFFF  }
0xa6: {  	s26 =	simm.s32 $execute0_lowered;
	[smem:$0x3FD2] =	sst s25  }
0xa7: {  	s6 =	sshll.u32 s26, $0x1;
	_ =	strace $0x80000046;
	[dreg:$0x1] =	wrdreg $0xFFFFFFFF  }
0xa8: {  	s28 =	simm.s32 $_size_execute0_lowered;
	s4 =	sadd.s32 s4, s6;
	[dreg:$0x0] =	wrdreg $0x0  }
0xa9: {  	s6 =	sshll.u32 s28, $0x1;
	[dreg:$0x2] =	wrdreg s4  }
0xaa: {  	[dreg:$0x3] =	wrdreg s6  }
0xab: {  	[dreg:$0x4] =	wrdreg $0xC0  }
0xac: {  	_ =	task [dreg:s8], $0x5FFFF  }
0xad: {  	[dreg:$0x1] =	wrdreg $0xFFFFFFFF  }
0xae: {  	[dreg:$0x0] =	wrdreg $0x60  }
0xaf: {  	[dreg:$0x2] =	wrdreg s2  }
0xb0: {  	[dreg:$0x3] =	wrdreg s24  }
0xb1: {  	[dreg:$0x4] =	wrdreg s18  }
0xb2: {  	[dreg:$0x5] =	wrdreg $0x9  }
0xb3: {  	_ =	task.clear_ibuf [dreg:s8], $0x6FFFF;
	_ =	strace $0x90000046  }
0xb4: {  	s29 =	simm.s32 $0x9;
	_ =	strace $0x80000048  }
0xb5: {  	_ =	swait.ge [sflag:s29], $0x1  }
0xb6: {  	[sflag:s29] =	ssyncadd.s32 $0xFFFFFFFF  }
0xb7: {  	_ =	strace $0x90000048  }
0xb8: {  	_ =	sfence  }
0xb9: {  	s30 =	sld [smem:$0x0];
	_ =	sdelay $0x2  }
0xba: {  	s31 =	sshll.u32 s1, $0xD;
	s1 =	sshrl.u32 s1, $0x2  }
0xbb: {  	s3 =	sand.u32 $0x4000, s31;
	s1 =	sadd.s32 s1, s30  }
0xbc: {  	s0 =	sor.u32 s3, s0;
	s1 =	sshll.u32 s1, $0x11  }
0xbd: {  	s0 =	sor.u32 s1, s0  }
0xbe: {  	s0 =	sadd.s32 $0x8F2B, s0  }
0xbf: {  	[sflag:s0] =	ssyncadd.remote.s32 $0x1  }
0xc0: {  	_ =	sfence.sel $0xFFFF  }
0xc1: {  	[dreg:$0x0] =	wrdreg $0xFFFFFFFF;
	(pc) =	sbr.abs _section_cstart, $3  }
0xc2: {  	[dreg:$0x1] =	wrdreg $0xFFFFFFFF  }
0xc3: {  	_ =	task.clear_ibuf [dreg:s8], $0x2FFFF;
	_ =	strace $0x9FFFFFFF  }
0xc4: {  	(tm) =	ssettm $0x7FFFFFFF  }
0xc5: {  	_ =	shalt  }
tec
execute0_lowered:
.L_overlay_start_1:
0x0: {  	(tag) =	ssettag $0x1  }
0x1: {  	s1 =	rddreg [dreg:$0x0]  }
0x2: {  	s0 =	srdreg.scid;
	s4 =	rddreg [dreg:$0x1]  }
0x3: {  	s19 =	stileid.u32;
	s20 =	rddreg [dreg:$0x2];
	s3 =	simm.s32 $0x0  }
0x4: {  	s30 =	simm.s32 $0x8280;
	s28 =	simm.s32 $0x17A80;
	s29 =	simm.s32 $0x3  }
0x5: {  	s23 =	simm.s32 $0x0;
	s0 =	sand.u32 $0x1, s0;
	s2 =	sshll.u32 s19, $0x1  }
0x6: {  	[smem:$0x7FF] =	sst s3;
	s7 =	sadd.s32 $0x300, s1;
	s8 =	sadd.s32 $0x400, s1  }
0x7: {  	s9 =	sadd.s32 $0x500, s1;
	s10 =	sadd.s32 $0x600, s1;
	s11 =	sadd.s32 $0x700, s1  }
0x8: {  	s12 =	sadd.s32 $0x800, s1;
	s13 =	sadd.s32 $0x900, s1;
	s14 =	sadd.s32 $0xA00, s1  }
0x9: {  	s15 =	sadd.s32 $0xB00, s1;
	s16 =	sadd.s32 $0xC00, s1;
	s17 =	sadd.s32 $0xD00, s1  }
0xa: {  	s18 =	sadd.s32 $0xE00, s1;
	s25 =	smul.u32 $0xA0000, s19;
	s19 =	sadd.s32 $0xF00, s1  }
0xb: {  	s2 =	sor.u32 s0, s2;
	s6 =	ssub.s32 $0x2, s0;
	s0 =	smul.u32 $0x50000, s0  }
0xc: {  	_ =	strace $0x80000047;
	s5 =	smul.u32 $0x280, s2;
	s24 =	sshrl.u32 s6, $0x1  }
0xd: {  	s2 =	smul.u32 $0x280000, s2;
	s31 =	sadd.s32 s25, s20;
	s25 =	simm.s32 $0x280  }
0xe: {  	s21 =	ssub.s32 s6, s24;
	s6 =	sadd.s32 $0x200, s1;
	s0 =	sadd.s32 s0, s31  }
0xf: {  	s24 =	simm.s32 $0x4;
	s5 =	sshrl.u32 s5, $0x3;
	s2 =	sshrl.u32 s2, $0x3  }
0x10: {  	s26 =	smax.u32 s21, $0x1;
	[dreg:$0x8] =	wrdreg s0;
	s21 =	simm.s32 $0x16A80  }
.Ltmp0:
0x11: {  	s0 =	simm.s32 $0x17280;
	s4 =	sadd.s32 s5, s4;
	(pc) =	sbr.rel .LBB2_1-.Ltmp0, $4  }
0x12: {  	s2 =	sadd.s32 s20, s2;
	[dreg:$0x7] =	wrdreg s26;
	s4 =	sadd.s32 $0x400, s4  }
0x13: {  	v0 =	vlaneseq.u32;
	s5 =	sadd.s32 $0x100, s1;
	s22 =	sadd.s32 $0x4E000, s2;
	[dreg:$0x4] =	wrdreg s4  }
0x14: {  	v1 =	vshrl.u32 v0, $0x3;
	s20 =	simm.s32 $0x10280;
	s2 =	sadd.s32 $0x4F000, s2;
	[dreg:$0x5] =	wrdreg s22  }
0x15: {  	vm0 =	vmmov $0xffff;
	v0 =	vand.u32 $0x7, v0;
	v1 =	vmul.u32 $0x8, v1;
	[dreg:$0x6] =	wrdreg s2;
	s4 =	simm.s32 $0x1;
	s22 =	simm.s32 $0x2  }
.LBB2_4:
0x16: {  	_ =	swait.ge [sflag:s4], $0x8000  }
0x17: {  	[sflag:s4] =	ssyncset.done $0x0  }
0x18: {  	s2 =	rddreg [dreg:$0x5];
	[sflag:s4] =	ssyncadd.s32 $0xFFFF8000  }
0x19: {  	[hbm4b:s2+s3] =	stream.linear.scatter [tilespmem:s25], [sflag:$0x4], $0x8000, $0x38;
	[tilespmem:$0x18280] =	vst v63  }
0x1a: {  	_ =	swait.ge [sflag:s24], $0x8000  }
0x1b: {  	[sflag:s24] =	ssyncset.done $0x0  }
0x1c: {  	[sflag:s24] =	ssyncadd.s32 $0xFFFF8000  }
0x1d: {  	_ =	swait.ge [sflag:s22], $0x8000  }
0x1e: {  	[sflag:s22] =	ssyncset.done $0x0  }
0x1f: {  	s26 =	rddreg [dreg:$0x6];
	[sflag:s22] =	ssyncadd.s32 $0xFFFF8000  }
0x20: {  	[hbm4b:s26+s3] =	stream.linear.scatter [tilespmem:s30], [sflag:$0x4], $0x8000, $0x38;
	[tilespmem:$0x18280] =	vst v63  }
0x21: {  	_ =	swait.ge [sflag:s24], $0x8000  }
0x22: {  	s23 =	rddreg [dreg:$0x9]  }
0x23: {  	s31 =	rddreg [dreg:$0x7];
	s23 =	sadd.s32 $0x1, s23  }
0x24: {  	p0 =	sne.s32 s23, s31  }
.Ltmp1:
0x25: {  	_ = 	snop;
	(pc) =	sbr.rel @!p0 .LBB2_5-.Ltmp1, $3  }
0x26: {  	_ =	sdelay $0x1  }
0x27: {  	[sflag:s24] =	ssyncset.done $0x0  }
0x28: {  	[sflag:s24] =	ssyncadd.s32 $0xFFFF8000  }
.LBB2_1:
0x29: {  	[dreg:$0x9] =	wrdreg s23  }
0x2a: {  	s2 =	rddreg [dreg:$0x4]  }
0x2b: {  	[tilespmem:s3], [sflag:$0x4] =	stream.linear.gather [hbm4b:s2+s3], $0x280, $0x38;
	[tilespmem:$0x18280] =	vst v63  }
0x2c: {  	_ =	swait.ge [sflag:s24], $0x280  }
0x2d: {  	[sflag:s24] =	ssyncset.done $0x0  }
0x2e: {  	[sflag:s24] =	ssyncadd.s32 $0xFFFFFD80  }
0x2f: {  	v2 =	vld.msk [tilespmem:$0x0], $0xff;
	_ =	sdelay $0x4  }
0x30: {  	v3 =	vshll.u32 v2, $0x5  }
0x31: {  	v2 =	vand.u32 $0x7, v2;
	v3 =	vand.u32 $0xFFFFFF00, v3  }
0x32: {  	v2 =	vor.u32 v2, v3  }
0x33: {  	v2 =	vperm.xlane v2, v0;
	_ =	sdelay $0x1  }
0x34: {  	v2 =	vadd.s32 v1, v2;
	_ =	sdelay $0x4  }
0x35: {  	[tilespmem:s25], [sflag:$0x1] =	stream.indirect_vreg.gather [hbm4b:s1+s3], $0x80, v2, vm0, $0xb8;
	[tilespmem:$0x18280] =	vst v63  }
0x36: {  	s23 =	simm.s32 $0xA80  }
0x37: {  	[tilespmem:s23], [sflag:$0x1] =	stream.indirect_vreg.gather [hbm4b:s5+s3], $0x80, v2, vm0, $0xb8;
	[tilespmem:$0x18280] =	vst v63  }
0x38: {  	s26 =	simm.s32 $0x1280  }
0x39: {  	[tilespmem:s26], [sflag:$0x1] =	stream.indirect_vreg.gather [hbm4b:s6+s3], $0x80, v2, vm0, $0xb8;
	[tilespmem:$0x18280] =	vst v63  }
0x3a: {  	s23 =	simm.s32 $0x1A80  }
0x3b: {  	[tilespmem:s23], [sflag:$0x1] =	stream.indirect_vreg.gather [hbm4b:s7+s3], $0x80, v2, vm0, $0xb8;
	[tilespmem:$0x18280] =	vst v63  }
0x3c: {  	s26 =	simm.s32 $0x2280  }
0x3d: {  	[tilespmem:s26], [sflag:$0x1] =	stream.indirect_vreg.gather [hbm4b:s8+s3], $0x80, v2, vm0, $0xb8;
	[tilespmem:$0x18280] =	vst v63  }
0x3e: {  	s23 =	simm.s32 $0x2A80  }
0x3f: {  	[tilespmem:s23], [sflag:$0x1] =	stream.indirect_vreg.gather [hbm4b:s9+s3], $0x80, v2, vm0, $0xb8;
	[tilespmem:$0x18280] =	vst v63  }
0x40: {  	s26 =	simm.s32 $0x3280  }
0x41: {  	[tilespmem:s26], [sflag:$0x1] =	stream.indirect_vreg.gather [hbm4b:s10+s3], $0x80, v2, vm0, $0xb8;
	[tilespmem:$0x18280] =	vst v63  }
0x42: {  	s23 =	simm.s32 $0x3A80  }
0x43: {  	[tilespmem:s23], [sflag:$0x1] =	stream.indirect_vreg.gather [hbm4b:s11+s3], $0x80, v2, vm0, $0xb8;
	[tilespmem:$0x18280] =	vst v63  }
0x44: {  	s26 =	simm.s32 $0x4280  }
0x45: {  	[tilespmem:s26], [sflag:$0x1] =	stream.indirect_vreg.gather [hbm4b:s12+s3], $0x80, v2, vm0, $0xb8;
	[tilespmem:$0x18280] =	vst v63  }
0x46: {  	s23 =	simm.s32 $0x4A80  }
0x47: {  	[tilespmem:s23], [sflag:$0x1] =	stream.indirect_vreg.gather [hbm4b:s13+s3], $0x80, v2, vm0, $0xb8;
	[tilespmem:$0x18280] =	vst v63  }
0x48: {  	s26 =	simm.s32 $0x5280  }
0x49: {  	[tilespmem:s26], [sflag:$0x1] =	stream.indirect_vreg.gather [hbm4b:s14+s3], $0x80, v2, vm0, $0xb8;
	[tilespmem:$0x18280] =	vst v63  }
0x4a: {  	s23 =	simm.s32 $0x5A80  }
0x4b: {  	[tilespmem:s23], [sflag:$0x1] =	stream.indirect_vreg.gather [hbm4b:s15+s3], $0x80, v2, vm0, $0xb8;
	[tilespmem:$0x18280] =	vst v63  }
0x4c: {  	s26 =	simm.s32 $0x6280  }
0x4d: {  	[tilespmem:s26], [sflag:$0x1] =	stream.indirect_vreg.gather [hbm4b:s16+s3], $0x80, v2, vm0, $0xb8;
	[tilespmem:$0x18280] =	vst v63  }
0x4e: {  	s23 =	simm.s32 $0x6A80  }
0x4f: {  	[tilespmem:s23], [sflag:$0x1] =	stream.indirect_vreg.gather [hbm4b:s17+s3], $0x80, v2, vm0, $0xb8;
	[tilespmem:$0x18280] =	vst v63  }
0x50: {  	s26 =	simm.s32 $0x7280  }
0x51: {  	[tilespmem:s26], [sflag:$0x1] =	stream.indirect_vreg.gather [hbm4b:s18+s3], $0x80, v2, vm0, $0xb8;
	[tilespmem:$0x18280] =	vst v63  }
0x52: {  	s23 =	simm.s32 $0x7A80  }
0x53: {  	[tilespmem:s23], [sflag:$0x1] =	stream.indirect_vreg.gather [hbm4b:s19+s3], $0x80, v2, vm0, $0xb8;
	[tilespmem:$0x18280] =	vst v63  }
0x54: {  	v2 =	vld.msk [tilespmem:$0x8], $0xff;
	_ =	sdelay $0x4  }
0x55: {  	v3 =	vshll.u32 v2, $0x5  }
0x56: {  	v2 =	vand.u32 $0x7, v2;
	v3 =	vand.u32 $0xFFFFFF00, v3  }
0x57: {  	v2 =	vor.u32 v2, v3  }
0x58: {  	v2 =	vperm.xlane v2, v0;
	_ =	sdelay $0x1  }
0x59: {  	v2 =	vadd.s32 v1, v2;
	_ =	sdelay $0x4  }
0x5a: {  	[tilespmem:s30], [sflag:$0x2] =	stream.indirect_vreg.gather [hbm4b:s1+s3], $0x80, v2, vm0, $0xb8;
	[tilespmem:$0x18280] =	vst v63  }
0x5b: {  	s26 =	simm.s32 $0x8A80  }
0x5c: {  	[tilespmem:s26], [sflag:$0x2] =	stream.indirect_vreg.gather [hbm4b:s5+s3], $0x80, v2, vm0, $0xb8;
	[tilespmem:$0x18280] =	vst v63  }
0x5d: {  	s23 =	simm.s32 $0x9280  }
0x5e: {  	[tilespmem:s23], [sflag:$0x2] =	stream.indirect_vreg.gather [hbm4b:s6+s3], $0x80, v2, vm0, $0xb8;
	[tilespmem:$0x18280] =	vst v63  }
0x5f: {  	s26 =	simm.s32 $0x9A80  }
0x60: {  	[tilespmem:s26], [sflag:$0x2] =	stream.indirect_vreg.gather [hbm4b:s7+s3], $0x80, v2, vm0, $0xb8;
	[tilespmem:$0x18280] =	vst v63  }
0x61: {  	s23 =	simm.s32 $0xA280  }
0x62: {  	[tilespmem:s23], [sflag:$0x2] =	stream.indirect_vreg.gather [hbm4b:s8+s3], $0x80, v2, vm0, $0xb8;
	[tilespmem:$0x18280] =	vst v63  }
0x63: {  	s26 =	simm.s32 $0xAA80  }
0x64: {  	[tilespmem:s26], [sflag:$0x2] =	stream.indirect_vreg.gather [hbm4b:s9+s3], $0x80, v2, vm0, $0xb8;
	[tilespmem:$0x18280] =	vst v63  }
0x65: {  	s23 =	simm.s32 $0xB280  }
0x66: {  	[tilespmem:s23], [sflag:$0x2] =	stream.indirect_vreg.gather [hbm4b:s10+s3], $0x80, v2, vm0, $0xb8;
	[tilespmem:$0x18280] =	vst v63  }
0x67: {  	s26 =	simm.s32 $0xBA80  }
0x68: {  	[tilespmem:s26], [sflag:$0x2] =	stream.indirect_vreg.gather [hbm4b:s11+s3], $0x80, v2, vm0, $0xb8;
	[tilespmem:$0x18280] =	vst v63  }
0x69: {  	s23 =	simm.s32 $0xC280  }
0x6a: {  	[tilespmem:s23], [sflag:$0x2] =	stream.indirect_vreg.gather [hbm4b:s12+s3], $0x80, v2, vm0, $0xb8;
	[tilespmem:$0x18280] =	vst v63  }
0x6b: {  	s26 =	simm.s32 $0xCA80  }
0x6c: {  	[tilespmem:s26], [sflag:$0x2] =	stream.indirect_vreg.gather [hbm4b:s13+s3], $0x80, v2, vm0, $0xb8;
	[tilespmem:$0x18280] =	vst v63  }
0x6d: {  	s23 =	simm.s32 $0xD280  }
0x6e: {  	[tilespmem:s23], [sflag:$0x2] =	stream.indirect_vreg.gather [hbm4b:s14+s3], $0x80, v2, vm0, $0xb8;
	[tilespmem:$0x18280] =	vst v63  }
0x6f: {  	s26 =	simm.s32 $0xDA80  }
0x70: {  	[tilespmem:s26], [sflag:$0x2] =	stream.indirect_vreg.gather [hbm4b:s15+s3], $0x80, v2, vm0, $0xb8;
	[tilespmem:$0x18280] =	vst v63  }
0x71: {  	s23 =	simm.s32 $0xE280  }
0x72: {  	[tilespmem:s23], [sflag:$0x2] =	stream.indirect_vreg.gather [hbm4b:s16+s3], $0x80, v2, vm0, $0xb8;
	[tilespmem:$0x18280] =	vst v63  }
0x73: {  	s26 =	simm.s32 $0xEA80  }
0x74: {  	[tilespmem:s26], [sflag:$0x2] =	stream.indirect_vreg.gather [hbm4b:s17+s3], $0x80, v2, vm0, $0xb8;
	[tilespmem:$0x18280] =	vst v63  }
0x75: {  	s23 =	simm.s32 $0xF280  }
0x76: {  	[tilespmem:s23], [sflag:$0x2] =	stream.indirect_vreg.gather [hbm4b:s18+s3], $0x80, v2, vm0, $0xb8;
	[tilespmem:$0x18280] =	vst v63  }
0x77: {  	s26 =	simm.s32 $0xFA80  }
0x78: {  	[tilespmem:s26], [sflag:$0x2] =	stream.indirect_vreg.gather [hbm4b:s19+s3], $0x80, v2, vm0, $0xb8;
	[tilespmem:$0x18280] =	vst v63  }
0x79: {  	v2 =	vld.msk [tilespmem:$0x10], $0xff;
	_ =	sdelay $0x4  }
0x7a: {  	v3 =	vshll.u32 v2, $0x5  }
0x7b: {  	v2 =	vand.u32 $0x7, v2;
	v3 =	vand.u32 $0xFFFFFF00, v3  }
0x7c: {  	v2 =	vor.u32 v2, v3  }
0x7d: {  	v2 =	vperm.xlane v2, v0;
	_ =	sdelay $0x1  }
0x7e: {  	v2 =	vadd.s32 v1, v2;
	_ =	sdelay $0x4  }
0x7f: {  	[tilespmem:s20], [sflag:$0x3] =	stream.indirect_vreg.gather [hbm4b:s1+s3], $0x80, v2, vm0, $0xb8;
	[tilespmem:$0x18280] =	vst v63  }
0x80: {  	s23 =	simm.s32 $0x10A80  }
0x81: {  	[tilespmem:s23], [sflag:$0x3] =	stream.indirect_vreg.gather [hbm4b:s5+s3], $0x80, v2, vm0, $0xb8;
	[tilespmem:$0x18280] =	vst v63  }
0x82: {  	s26 =	simm.s32 $0x11280  }
0x83: {  	[tilespmem:s26], [sflag:$0x3] =	stream.indirect_vreg.gather [hbm4b:s6+s3], $0x80, v2, vm0, $0xb8;
	[tilespmem:$0x18280] =	vst v63  }
0x84: {  	s23 =	simm.s32 $0x11A80  }
0x85: {  	[tilespmem:s23], [sflag:$0x3] =	stream.indirect_vreg.gather [hbm4b:s7+s3], $0x80, v2, vm0, $0xb8;
	[tilespmem:$0x18280] =	vst v63  }
0x86: {  	s26 =	simm.s32 $0x12280  }
0x87: {  	[tilespmem:s26], [sflag:$0x3] =	stream.indirect_vreg.gather [hbm4b:s8+s3], $0x80, v2, vm0, $0xb8;
	[tilespmem:$0x18280] =	vst v63  }
0x88: {  	s23 =	simm.s32 $0x12A80  }
0x89: {  	[tilespmem:s23], [sflag:$0x3] =	stream.indirect_vreg.gather [hbm4b:s9+s3], $0x80, v2, vm0, $0xb8;
	[tilespmem:$0x18280] =	vst v63  }
0x8a: {  	s26 =	simm.s32 $0x13280  }
0x8b: {  	[tilespmem:s26], [sflag:$0x3] =	stream.indirect_vreg.gather [hbm4b:s10+s3], $0x80, v2, vm0, $0xb8;
	[tilespmem:$0x18280] =	vst v63  }
0x8c: {  	s23 =	simm.s32 $0x13A80  }
0x8d: {  	[tilespmem:s23], [sflag:$0x3] =	stream.indirect_vreg.gather [hbm4b:s11+s3], $0x80, v2, vm0, $0xb8;
	[tilespmem:$0x18280] =	vst v63  }
0x8e: {  	s26 =	simm.s32 $0x14280  }
0x8f: {  	[tilespmem:s26], [sflag:$0x3] =	stream.indirect_vreg.gather [hbm4b:s12+s3], $0x80, v2, vm0, $0xb8;
	[tilespmem:$0x18280] =	vst v63  }
0x90: {  	s23 =	simm.s32 $0x14A80  }
0x91: {  	[tilespmem:s23], [sflag:$0x3] =	stream.indirect_vreg.gather [hbm4b:s13+s3], $0x80, v2, vm0, $0xb8;
	[tilespmem:$0x18280] =	vst v63  }
0x92: {  	s26 =	simm.s32 $0x15280  }
0x93: {  	[tilespmem:s26], [sflag:$0x3] =	stream.indirect_vreg.gather [hbm4b:s14+s3], $0x80, v2, vm0, $0xb8;
	[tilespmem:$0x18280] =	vst v63  }
0x94: {  	s23 =	simm.s32 $0x15A80  }
0x95: {  	[tilespmem:s23], [sflag:$0x3] =	stream.indirect_vreg.gather [hbm4b:s15+s3], $0x80, v2, vm0, $0xb8;
	[tilespmem:$0x18280] =	vst v63  }
0x96: {  	s26 =	simm.s32 $0x16280  }
0x97: {  	[tilespmem:s26], [sflag:$0x3] =	stream.indirect_vreg.gather [hbm4b:s16+s3], $0x80, v2, vm0, $0xb8;
	[tilespmem:$0x18280] =	vst v63  }
0x98: {  	_ = 	snop  }
0x99: {  	[tilespmem:s21], [sflag:$0x3] =	stream.indirect_vreg.gather [hbm4b:s17+s3], $0x80, v2, vm0, $0xb8;
	[tilespmem:$0x18280] =	vst v63  }
0x9a: {  	_ = 	snop  }
0x9b: {  	[tilespmem:s0], [sflag:$0x3] =	stream.indirect_vreg.gather [hbm4b:s18+s3], $0x80, v2, vm0, $0xb8;
	[tilespmem:$0x18280] =	vst v63  }
0x9c: {  	s31 =	simm.s32 $0x0;
	s23 =	rddreg [dreg:$0x8]  }
0x9d: {  	[tilespmem:s28], [sflag:$0x3] =	stream.indirect_vreg.gather [hbm4b:s19+s3], $0x80, v2, vm0, $0xb8;
	[tilespmem:$0x18280] =	vst v63  }
.LBB2_2:
0x9e: {  	_ =	swait.ge [sflag:s4], $0x8000  }
0x9f: {  	[sflag:s4] =	ssyncset.done $0x0  }
0xa0: {  	[sflag:s4] =	ssyncadd.s32 $0xFFFF8000  }
0xa1: {  	[hbm4b:s23+s3] =	stream.linear.scatter [tilespmem:s25], [sflag:$0x4], $0x8000, $0x38;
	[tilespmem:$0x18280] =	vst v63  }
0xa2: {  	_ =	swait.ge [sflag:s24], $0x8000  }
0xa3: {  	[sflag:s24] =	ssyncset.done $0x0  }
0xa4: {  	s26 =	sshra.s32 s31, $0x2;
	[sflag:s24] =	ssyncadd.s32 $0xFFFF8000  }
0xa5: {  	v2 =	vld.msk [tilespmem:s26+$0x18], $0xff;
	_ =	sdelay $0x4  }
0xa6: {  	v3 =	vshll.u32 v2, $0x5  }
0xa7: {  	v2 =	vand.u32 $0x7, v2;
	v3 =	vand.u32 $0xFFFFFF00, v3  }
0xa8: {  	v2 =	vor.u32 v2, v3  }
0xa9: {  	v2 =	vperm.xlane v2, v0;
	_ =	sdelay $0x1  }
0xaa: {  	v2 =	vadd.s32 v1, v2;
	_ =	sdelay $0x4  }
0xab: {  	[tilespmem:s25], [sflag:$0x1] =	stream.indirect_vreg.gather [hbm4b:s1+s3], $0x80, v2, vm0, $0xb8;
	[tilespmem:$0x18280] =	vst v63  }
0xac: {  	s2 =	simm.s32 $0xA80  }
0xad: {  	[tilespmem:s2], [sflag:$0x1] =	stream.indirect_vreg.gather [hbm4b:s5+s3], $0x80, v2, vm0, $0xb8;
	[tilespmem:$0x18280] =	vst v63  }
0xae: {  	s2 =	simm.s32 $0x1280  }
0xaf: {  	[tilespmem:s2], [sflag:$0x1] =	stream.indirect_vreg.gather [hbm4b:s6+s3], $0x80, v2, vm0, $0xb8;
	[tilespmem:$0x18280] =	vst v63  }
0xb0: {  	s2 =	simm.s32 $0x1A80  }
0xb1: {  	[tilespmem:s2], [sflag:$0x1] =	stream.indirect_vreg.gather [hbm4b:s7+s3], $0x80, v2, vm0, $0xb8;
	[tilespmem:$0x18280] =	vst v63  }
0xb2: {  	s2 =	simm.s32 $0x2280  }
0xb3: {  	[tilespmem:s2], [sflag:$0x1] =	stream.indirect_vreg.gather [hbm4b:s8+s3], $0x80, v2, vm0, $0xb8;
	[tilespmem:$0x18280] =	vst v63  }
0xb4: {  	s2 =	simm.s32 $0x2A80  }
0xb5: {  	[tilespmem:s2], [sflag:$0x1] =	stream.indirect_vreg.gather [hbm4b:s9+s3], $0x80, v2, vm0, $0xb8;
	[tilespmem:$0x18280] =	vst v63  }
0xb6: {  	s2 =	simm.s32 $0x3280  }
0xb7: {  	[tilespmem:s2], [sflag:$0x1] =	stream.indirect_vreg.gather [hbm4b:s10+s3], $0x80, v2, vm0, $0xb8;
	[tilespmem:$0x18280] =	vst v63  }
0xb8: {  	s2 =	simm.s32 $0x3A80  }
0xb9: {  	[tilespmem:s2], [sflag:$0x1] =	stream.indirect_vreg.gather [hbm4b:s11+s3], $0x80, v2, vm0, $0xb8;
	[tilespmem:$0x18280] =	vst v63  }
0xba: {  	s2 =	simm.s32 $0x4280  }
0xbb: {  	[tilespmem:s2], [sflag:$0x1] =	stream.indirect_vreg.gather [hbm4b:s12+s3], $0x80, v2, vm0, $0xb8;
	[tilespmem:$0x18280] =	vst v63  }
0xbc: {  	s2 =	simm.s32 $0x4A80  }
0xbd: {  	[tilespmem:s2], [sflag:$0x1] =	stream.indirect_vreg.gather [hbm4b:s13+s3], $0x80, v2, vm0, $0xb8;
	[tilespmem:$0x18280] =	vst v63  }
0xbe: {  	s2 =	simm.s32 $0x5280  }
0xbf: {  	[tilespmem:s2], [sflag:$0x1] =	stream.indirect_vreg.gather [hbm4b:s14+s3], $0x80, v2, vm0, $0xb8;
	[tilespmem:$0x18280] =	vst v63  }
0xc0: {  	s2 =	simm.s32 $0x5A80  }
0xc1: {  	[tilespmem:s2], [sflag:$0x1] =	stream.indirect_vreg.gather [hbm4b:s15+s3], $0x80, v2, vm0, $0xb8;
	[tilespmem:$0x18280] =	vst v63  }
0xc2: {  	s2 =	simm.s32 $0x6280  }
0xc3: {  	[tilespmem:s2], [sflag:$0x1] =	stream.indirect_vreg.gather [hbm4b:s16+s3], $0x80, v2, vm0, $0xb8;
	[tilespmem:$0x18280] =	vst v63  }
0xc4: {  	s2 =	simm.s32 $0x6A80  }
0xc5: {  	[tilespmem:s2], [sflag:$0x1] =	stream.indirect_vreg.gather [hbm4b:s17+s3], $0x80, v2, vm0, $0xb8;
	[tilespmem:$0x18280] =	vst v63  }
0xc6: {  	s2 =	simm.s32 $0x7280  }
0xc7: {  	[tilespmem:s2], [sflag:$0x1] =	stream.indirect_vreg.gather [hbm4b:s18+s3], $0x80, v2, vm0, $0xb8;
	[tilespmem:$0x18280] =	vst v63  }
0xc8: {  	s2 =	simm.s32 $0x7A80  }
0xc9: {  	[tilespmem:s2], [sflag:$0x1] =	stream.indirect_vreg.gather [hbm4b:s19+s3], $0x80, v2, vm0, $0xb8;
	[tilespmem:$0x18280] =	vst v63  }
0xca: {  	_ =	swait.ge [sflag:s22], $0x8000  }
0xcb: {  	[sflag:s22] =	ssyncset.done $0x0  }
0xcc: {  	s2 =	sadd.s32 $0x1000, s23;
	[sflag:s22] =	ssyncadd.s32 $0xFFFF8000  }
0xcd: {  	[hbm4b:s2+s3] =	stream.linear.scatter [tilespmem:s30], [sflag:$0x4], $0x8000, $0x38;
	[tilespmem:$0x18280] =	vst v63  }
0xce: {  	_ =	swait.ge [sflag:s24], $0x8000  }
0xcf: {  	[sflag:s24] =	ssyncset.done $0x0  }
0xd0: {  	[sflag:s24] =	ssyncadd.s32 $0xFFFF8000  }
0xd1: {  	v2 =	vld.msk [tilespmem:s26+$0x20], $0xff;
	_ =	sdelay $0x4  }
0xd2: {  	v3 =	vshll.u32 v2, $0x5  }
0xd3: {  	v2 =	vand.u32 $0x7, v2;
	v3 =	vand.u32 $0xFFFFFF00, v3  }
0xd4: {  	v2 =	vor.u32 v2, v3  }
0xd5: {  	v2 =	vperm.xlane v2, v0;
	_ =	sdelay $0x1  }
0xd6: {  	v2 =	vadd.s32 v1, v2;
	_ =	sdelay $0x4  }
0xd7: {  	[tilespmem:s30], [sflag:$0x2] =	stream.indirect_vreg.gather [hbm4b:s1+s3], $0x80, v2, vm0, $0xb8;
	[tilespmem:$0x18280] =	vst v63  }
0xd8: {  	s2 =	simm.s32 $0x8A80  }
0xd9: {  	[tilespmem:s2], [sflag:$0x2] =	stream.indirect_vreg.gather [hbm4b:s5+s3], $0x80, v2, vm0, $0xb8;
	[tilespmem:$0x18280] =	vst v63  }
0xda: {  	s2 =	simm.s32 $0x9280  }
0xdb: {  	[tilespmem:s2], [sflag:$0x2] =	stream.indirect_vreg.gather [hbm4b:s6+s3], $0x80, v2, vm0, $0xb8;
	[tilespmem:$0x18280] =	vst v63  }
0xdc: {  	s2 =	simm.s32 $0x9A80  }
0xdd: {  	[tilespmem:s2], [sflag:$0x2] =	stream.indirect_vreg.gather [hbm4b:s7+s3], $0x80, v2, vm0, $0xb8;
	[tilespmem:$0x18280] =	vst v63  }
0xde: {  	s2 =	simm.s32 $0xA280  }
0xdf: {  	[tilespmem:s2], [sflag:$0x2] =	stream.indirect_vreg.gather [hbm4b:s8+s3], $0x80, v2, vm0, $0xb8;
	[tilespmem:$0x18280] =	vst v63  }
0xe0: {  	s2 =	simm.s32 $0xAA80  }
0xe1: {  	[tilespmem:s2], [sflag:$0x2] =	stream.indirect_vreg.gather [hbm4b:s9+s3], $0x80, v2, vm0, $0xb8;
	[tilespmem:$0x18280] =	vst v63  }
0xe2: {  	s2 =	simm.s32 $0xB280  }
0xe3: {  	[tilespmem:s2], [sflag:$0x2] =	stream.indirect_vreg.gather [hbm4b:s10+s3], $0x80, v2, vm0, $0xb8;
	[tilespmem:$0x18280] =	vst v63  }
0xe4: {  	s2 =	simm.s32 $0xBA80  }
0xe5: {  	[tilespmem:s2], [sflag:$0x2] =	stream.indirect_vreg.gather [hbm4b:s11+s3], $0x80, v2, vm0, $0xb8;
	[tilespmem:$0x18280] =	vst v63  }
0xe6: {  	s2 =	simm.s32 $0xC280  }
0xe7: {  	[tilespmem:s2], [sflag:$0x2] =	stream.indirect_vreg.gather [hbm4b:s12+s3], $0x80, v2, vm0, $0xb8;
	[tilespmem:$0x18280] =	vst v63  }
0xe8: {  	s2 =	simm.s32 $0xCA80  }
0xe9: {  	[tilespmem:s2], [sflag:$0x2] =	stream.indirect_vreg.gather [hbm4b:s13+s3], $0x80, v2, vm0, $0xb8;
	[tilespmem:$0x18280] =	vst v63  }
0xea: {  	s2 =	simm.s32 $0xD280  }
0xeb: {  	[tilespmem:s2], [sflag:$0x2] =	stream.indirect_vreg.gather [hbm4b:s14+s3], $0x80, v2, vm0, $0xb8;
	[tilespmem:$0x18280] =	vst v63  }
0xec: {  	s2 =	simm.s32 $0xDA80  }
0xed: {  	[tilespmem:s2], [sflag:$0x2] =	stream.indirect_vreg.gather [hbm4b:s15+s3], $0x80, v2, vm0, $0xb8;
	[tilespmem:$0x18280] =	vst v63  }
0xee: {  	s2 =	simm.s32 $0xE280  }
0xef: {  	[tilespmem:s2], [sflag:$0x2] =	stream.indirect_vreg.gather [hbm4b:s16+s3], $0x80, v2, vm0, $0xb8;
	[tilespmem:$0x18280] =	vst v63  }
0xf0: {  	s2 =	simm.s32 $0xEA80  }
0xf1: {  	[tilespmem:s2], [sflag:$0x2] =	stream.indirect_vreg.gather [hbm4b:s17+s3], $0x80, v2, vm0, $0xb8;
	[tilespmem:$0x18280] =	vst v63  }
0xf2: {  	s2 =	simm.s32 $0xF280  }
0xf3: {  	[tilespmem:s2], [sflag:$0x2] =	stream.indirect_vreg.gather [hbm4b:s18+s3], $0x80, v2, vm0, $0xb8;
	[tilespmem:$0x18280] =	vst v63  }
0xf4: {  	s2 =	simm.s32 $0xFA80  }
0xf5: {  	[tilespmem:s2], [sflag:$0x2] =	stream.indirect_vreg.gather [hbm4b:s19+s3], $0x80, v2, vm0, $0xb8;
	[tilespmem:$0x18280] =	vst v63  }
0xf6: {  	_ =	swait.ge [sflag:s29], $0x8000  }
0xf7: {  	p0 =	seq.s32 s31, $0x960;
	[sflag:s29] =	ssyncset.done $0x0  }
.Ltmp2:
0xf8: {  	s2 =	sadd.s32 $0x2000, s23;
	[sflag:s29] =	ssyncadd.s32 $0xFFFF8000;
	(pc) =	sbr.rel @p0 .LBB2_4-.Ltmp2, $4  }
0xf9: {  	[hbm4b:s2+s3] =	stream.linear.scatter [tilespmem:s20], [sflag:$0x4], $0x8000, $0x38;
	[tilespmem:$0x18280] =	vst v63  }
0xfa: {  	_ =	swait.ge [sflag:s24], $0x8000  }
0xfb: {  	[sflag:s24] =	ssyncset.done $0x0  }
0xfc: {  	[sflag:s24] =	ssyncadd.s32 $0xFFFF8000  }
0xfd: {  	v2 =	vld.msk [tilespmem:s26+$0x28], $0xff;
	_ =	sdelay $0x4  }
0xfe: {  	v3 =	vshll.u32 v2, $0x5  }
0xff: {  	v2 =	vand.u32 $0x7, v2;
	v3 =	vand.u32 $0xFFFFFF00, v3  }
0x100: {  	v2 =	vor.u32 v2, v3  }
0x101: {  	v2 =	vperm.xlane v2, v0;
	_ =	sdelay $0x1  }
0x102: {  	v2 =	vadd.s32 v1, v2;
	_ =	sdelay $0x4  }
0x103: {  	[tilespmem:s20], [sflag:$0x3] =	stream.indirect_vreg.gather [hbm4b:s1+s3], $0x80, v2, vm0, $0xb8;
	[tilespmem:$0x18280] =	vst v63  }
0x104: {  	s2 =	simm.s32 $0x10A80  }
0x105: {  	[tilespmem:s2], [sflag:$0x3] =	stream.indirect_vreg.gather [hbm4b:s5+s3], $0x80, v2, vm0, $0xb8;
	[tilespmem:$0x18280] =	vst v63  }
0x106: {  	s26 =	simm.s32 $0x11280  }
0x107: {  	[tilespmem:s26], [sflag:$0x3] =	stream.indirect_vreg.gather [hbm4b:s6+s3], $0x80, v2, vm0, $0xb8;
	[tilespmem:$0x18280] =	vst v63  }
0x108: {  	s26 =	simm.s32 $0x11A80  }
0x109: {  	[tilespmem:s26], [sflag:$0x3] =	stream.indirect_vreg.gather [hbm4b:s7+s3], $0x80, v2, vm0, $0xb8;
	[tilespmem:$0x18280] =	vst v63  }
0x10a: {  	s26 =	simm.s32 $0x12280  }
0x10b: {  	[tilespmem:s26], [sflag:$0x3] =	stream.indirect_vreg.gather [hbm4b:s8+s3], $0x80, v2, vm0, $0xb8;
	[tilespmem:$0x18280] =	vst v63  }
0x10c: {  	s26 =	simm.s32 $0x12A80  }
0x10d: {  	[tilespmem:s26], [sflag:$0x3] =	stream.indirect_vreg.gather [hbm4b:s9+s3], $0x80, v2, vm0, $0xb8;
	[tilespmem:$0x18280] =	vst v63  }
0x10e: {  	s26 =	simm.s32 $0x13280  }
0x10f: {  	[tilespmem:s26], [sflag:$0x3] =	stream.indirect_vreg.gather [hbm4b:s10+s3], $0x80, v2, vm0, $0xb8;
	[tilespmem:$0x18280] =	vst v63  }
0x110: {  	s26 =	simm.s32 $0x13A80  }
0x111: {  	[tilespmem:s26], [sflag:$0x3] =	stream.indirect_vreg.gather [hbm4b:s11+s3], $0x80, v2, vm0, $0xb8;
	[tilespmem:$0x18280] =	vst v63  }
0x112: {  	s26 =	simm.s32 $0x14280  }
0x113: {  	[tilespmem:s26], [sflag:$0x3] =	stream.indirect_vreg.gather [hbm4b:s12+s3], $0x80, v2, vm0, $0xb8;
	[tilespmem:$0x18280] =	vst v63  }
0x114: {  	s26 =	simm.s32 $0x14A80  }
0x115: {  	[tilespmem:s26], [sflag:$0x3] =	stream.indirect_vreg.gather [hbm4b:s13+s3], $0x80, v2, vm0, $0xb8;
	[tilespmem:$0x18280] =	vst v63  }
0x116: {  	s26 =	simm.s32 $0x15280  }
0x117: {  	[tilespmem:s26], [sflag:$0x3] =	stream.indirect_vreg.gather [hbm4b:s14+s3], $0x80, v2, vm0, $0xb8;
	[tilespmem:$0x18280] =	vst v63  }
0x118: {  	s26 =	simm.s32 $0x15A80  }
0x119: {  	[tilespmem:s26], [sflag:$0x3] =	stream.indirect_vreg.gather [hbm4b:s15+s3], $0x80, v2, vm0, $0xb8;
	[tilespmem:$0x18280] =	vst v63  }
0x11a: {  	s26 =	simm.s32 $0x16280  }
0x11b: {  	[tilespmem:s26], [sflag:$0x3] =	stream.indirect_vreg.gather [hbm4b:s16+s3], $0x80, v2, vm0, $0xb8;
	[tilespmem:$0x18280] =	vst v63  }
0x11c: {  	_ = 	snop  }
0x11d: {  	[tilespmem:s21], [sflag:$0x3] =	stream.indirect_vreg.gather [hbm4b:s17+s3], $0x80, v2, vm0, $0xb8;
	[tilespmem:$0x18280] =	vst v63  }
.Ltmp3:
0x11e: {  	_ = 	snop;
	(pc) =	sbr.rel .LBB2_2-.Ltmp3, $4  }
0x11f: {  	_ = 	snop  }
0x120: {  	[tilespmem:s0], [sflag:$0x3] =	stream.indirect_vreg.gather [hbm4b:s18+s3], $0x80, v2, vm0, $0xb8;
	[tilespmem:$0x18280] =	vst v63  }
0x121: {  	s31 =	sadd.s32 $0x60, s31;
	s23 =	sadd.s32 $0x3000, s23  }
0x122: {  	[tilespmem:s28], [sflag:$0x3] =	stream.indirect_vreg.gather [hbm4b:s19+s3], $0x80, v2, vm0, $0xb8;
	[tilespmem:$0x18280] =	vst v63  }
.LBB2_5:
0x123: {  	_ =	sfence.sel $0x180000  }
0x124: {  	[bflag:$0x0] =	sbarrier.arrive $0xFFFF  }
0x125: {  	_ =	strace $0x90000047  }
0x126: {  	s0 =	stileid.u32;
	[bflag:$0x2] =	sbarrier.arrive $0xFFFF  }
0x127: {  	p0 =	sne.s32 s0, $0x0;
	s0 =	rddreg [dreg:$0x3]  }
0x128: {  	s0 =	sadd.s32 @!p0 $0x100000, s0  }
0x129: {  	[sflag:s0] =	ssyncadd.tile.s32 @!p0 $0x1;
	_ =	shalt  }
.Lfunc_end2:
_tile_overlayer_lowered:
.L_overlay_start_2:
0x12a: {  	(tag) =	ssettag $0x2  }
0x12b: {  	s0 =	rddreg [dreg:$0x0];
	s2 =	stileid.u32  }
0x12c: {  	s1 =	rddreg [dreg:$0x1];
	p0 =	sne.s32 s2, $0x0  }
0x12d: {  	s3 =	rddreg [dreg:$0x2];
	[bflag:$0x3] =	sbarrier.arrive $0xFFFF;
	s2 =	simm.s32 @!p0 $0x1C04  }
0x12e: {  	[timem:s3], [sflag:s2] =	dma.local @!p0 [hbm:s0], s1  }
0x12f: {  	s0 =	simm.s32 @!p0 $0x4  }
0x130: {  	_ =	swait.ge @!p0 [sflag:s0], s1  }
0x131: {  	s1 =	ssub.s32 @!p0 $0x0, s1;
	[sflag:s0] =	ssyncset.done @!p0 $0x0  }
0x132: {  	[sflag:s0] =	ssyncadd.s32 @!p0 s1  }
0x133: {  	[bflag:$0x3] =	sbarrier.arrive $0xFFFF  }
0x134: {  	_ =	shalt  }

</sc_bundles>
